<compile_context>
chip_gen: v7x
topology: tpu7x:2x2x1
jax: 0.10.2.dev20260603
libtpu: 0.0.44.dev20260713+nightly
codegen_flags: <defaults>
</compile_context>

<pallas_src>
import jax
import jax.numpy as jnp
from jax import lax
from jax.experimental import pallas as pl
from jax.experimental.pallas import tpu as pltpu
from jax.experimental.pallas import tpu_sc as plsc

B, NF, NCH, NT = 2, 2, 1536, 128
NW0, NW1, NW2 = 476, 476, 584
NX = 10000
NK3 = 3 * NX
NROWS = B * NF * NCH
ZROW = NROWS
XROWS = NROWS + 8

NWSUM = NW0 + NW1 + NW2
P0, P1, P2 = 0, NW0, NW0 + NW1

NK = 80
NCHUNK = NK3 // NK
NTILES = 32
JMAX = (NCHUNK + NTILES - 1) // NTILES

def _sc_body(xext, giA, giB, rc0, rc1, rowc, wiresf, chansf, out,
             rowc_v, wires_v, chans_v, giav, gibv, rc0v, rc1v,
             Lg, stage, bb, vs16, semL, semG, semOF, semOB):
    cid = lax.axis_index("c")
    sid = lax.axis_index("s")
    wid = sid * 2 + cid

    pltpu.sync_copy(rowc, rowc_v)
    pltpu.sync_copy(wiresf, wires_v)
    pltpu.sync_copy(chansf, chans_v)

    def chunk_body(i):
        q0 = pl.multiple_of(i * NK, 8)
        g = lax.div(i, jnp.int32(NCHUNK // 3))
        pa = g * NW0
        pb = jnp.where(g < 2, pa + NW0, 0)

        cp1 = pltpu.make_async_copy(giA.at[pl.ds(q0, NK)], giav, semL)
        cp2 = pltpu.make_async_copy(giB.at[pl.ds(q0, NK)], gibv, semL)
        cp3 = pltpu.make_async_copy(rc0.at[pl.ds(q0, NK)], rc0v, semL)
        cp4 = pltpu.make_async_copy(rc1.at[pl.ds(q0, NK)], rc1v, semL)
        for c in (cp1, cp2, cp3, cp4):
            c.start()
        for c in (cp1, cp2, cp3, cp4):
            c.wait()

        def v16_body(v, carry):
            o = pl.multiple_of(v * 16, 16)
            gA = giav[pl.ds(o, 16)] + pa
            gB = gibv[pl.ds(o, 16)] + pb
            cA = plsc.load_gather(rowc_v, [gA])
            cB = plsc.load_gather(rowc_v, [gB])
            okA = cA >= 0
            okB = cB >= 0
            zr = jnp.full((16,), ZROW, jnp.int32)
            Lg[0, pl.ds(o, 16)] = jnp.where(okA, cA, zr)
            Lg[1, pl.ds(o, 16)] = jnp.where(okA, cA + NCH, zr)
            Lg[2, pl.ds(o, 16)] = jnp.where(okB, cB, zr)
            Lg[3, pl.ds(o, 16)] = jnp.where(okB, cB + NCH, zr)
            Lg[4, pl.ds(o, 16)] = jnp.where(okA, cA + 2 * NCH, zr)
            Lg[5, pl.ds(o, 16)] = jnp.where(okA, cA + 3 * NCH, zr)
            Lg[6, pl.ds(o, 16)] = jnp.where(okB, cB + 2 * NCH, zr)
            Lg[7, pl.ds(o, 16)] = jnp.where(okB, cB + 3 * NCH, zr)

            vals = [
                plsc.load_gather(wires_v, [gA]),
                plsc.load_gather(chans_v, [gA]),
                plsc.load_gather(wires_v, [gB]),
                plsc.load_gather(chans_v, [gB]),
                rc0v[pl.ds(o, 16)],
                rc1v[pl.ds(o, 16)],
            ]
            rtzero = jnp.minimum(giav[pl.ds(0, 16)], 0)
            for sec, vec in enumerate(vals):
                vs16[:] = vec
                sp = plsc.load_gather(vs16, [rtzero])
                bb[sec, o, pl.ds(0, 16)] = sp
            return carry

        lax.fori_loop(0, NK // 16, v16_body, 0)

        sems4 = (semG, semL, semOF, semOB)

        def gathers(b):
            cps = [pltpu.make_async_copy(xext.at[Lg.at[4 * b + r]],
                                         stage.at[r], sems4[r])
                   for r in range(4)]
            return cps

        def outs_feat(b, so):
            cs = (0, 1, 4, 5)
            cps = [pltpu.make_async_copy(
                stage.at[r], out.at[b, cs[r], pl.ds(q0, NK), :], so)
                for r in range(4)]
            return cps

        def outs_bb(b, so):
            cs = (2, 3, 6, 7, 8, 9)
            cps = [pltpu.make_async_copy(
                bb.at[sec], out.at[b, cs[sec], pl.ds(q0, NK), :], so)
                for sec in range(6)]
            return cps

        g0 = gathers(0)
        for c in g0:
            c.start()
        for c in g0:
            c.wait()

    def j_body(j, carry):
        i = wid + NTILES * j

        @pl.when(i < NCHUNK)
        def _():
            chunk_body(i)

        return carry

    lax.fori_loop(0, JMAX, j_body, 0)


def _routing(w_ids, c_ids, nw):
    jmax = jnp.full((nw,), -1, jnp.int32).at[w_ids].max(
        jnp.arange(nw, dtype=jnp.int32))
    return jnp.where(jmax >= 0, c_ids[jnp.clip(jmax, 0, nw - 1)],
                     -1).astype(jnp.int32)


def kernel(x, wires_p0, chans_p0, wires_p1, chans_p1, wires_p2, chans_p2,
           gi01, gi12, gi20, rc01, rc12, rc20):
    f32 = jnp.float32
    xext = jnp.concatenate(
        [x.reshape(NROWS, NT), jnp.zeros((XROWS - NROWS, NT), f32)])

    rowc = jnp.concatenate([
        _routing(wires_p0, chans_p0, NW0),
        _routing(wires_p1, chans_p1, NW1),
        _routing(wires_p2, chans_p2, NW2),
    ])
    wiresf = jnp.concatenate([wires_p0, wires_p1, wires_p2]).astype(f32)
    chansf = jnp.concatenate([chans_p0, chans_p1, chans_p2]).astype(f32)

    giA = jnp.concatenate([gi01[:, 0], gi12[:, 0], gi20[:, 0]])
    giB = jnp.concatenate([gi01[:, 1], gi12[:, 1], gi20[:, 1]])
    rc0 = jnp.concatenate([rc01[:, 0], rc12[:, 0], rc20[:, 0]])
    rc1 = jnp.concatenate([rc01[:, 1], rc12[:, 1], rc20[:, 1]])

    mesh = plsc.VectorSubcoreMesh(core_axis_name="c", subcore_axis_name="s",
                                  num_cores=2, num_subcores=16)
    run = pl.kernel(
        _sc_body,
        out_type=jax.ShapeDtypeStruct((B, 10, NK3, NT), f32),
        mesh=mesh,
        compiler_params=pltpu.CompilerParams(needs_layout_passes=False),
        scratch_types=[
            pltpu.VMEM((NWSUM,), jnp.int32),
            pltpu.VMEM((NWSUM,), f32),
            pltpu.VMEM((NWSUM,), f32),
            pltpu.VMEM((NK,), jnp.int32),
            pltpu.VMEM((NK,), jnp.int32),
            pltpu.VMEM((NK,), f32),
            pltpu.VMEM((NK,), f32),
            pltpu.VMEM((8, NK), jnp.int32),
            pltpu.VMEM((4, NK, NT), f32),
            pltpu.VMEM((6, NK, NT), f32),
            pltpu.VMEM((16,), f32),
            pltpu.SemaphoreType.DMA,
            pltpu.SemaphoreType.DMA,
            pltpu.SemaphoreType.DMA,
            pltpu.SemaphoreType.DMA,
        ],
    )
    out = run(xext, giA, giB, rc0, rc1, rowc, wiresf, chansf)
    return jnp.transpose(out, (0, 3, 2, 1))

# --- scband reference (transcript-rebuilt; emitter-appended) ---
"""Pipeline reference for scband-network-14096082666295 (READ-ONLY COPY).

The authoritative reference and input builder live on the scoring server;
editing this copy changes nothing except your own understanding.
"""

import jax, jax.numpy as jnp
import numpy as np

B, NF, NCH, NT = 2, 2, 1536, 128
NW0, NW1, NW2 = 476, 476, 584
NX = 10000

def setup_inputs(seed: int = 0) -> dict:
    key = jax.random.key(seed)
    ks = jax.random.split(key, 16)
    inp = {}
    inp["x"] = jax.random.normal(ks[0], (B, NF, NCH, NT), dtype=jnp.float32)
    inp["wires_p0"] = jax.random.randint(ks[1], (NW0,), 0, NW0, dtype=jnp.int32)
    inp["chans_p0"] = jax.random.randint(ks[2], (NW0,), 0, NCH, dtype=jnp.int32)
    inp["wires_p1"] = jax.random.randint(ks[3], (NW1,), 0, NW1, dtype=jnp.int32)
    inp["chans_p1"] = jax.random.randint(ks[4], (NW1,), 0, NCH, dtype=jnp.int32)
    inp["wires_p2"] = jax.random.randint(ks[5], (NW2,), 0, NW2, dtype=jnp.int32)
    inp["chans_p2"] = jax.random.randint(ks[6], (NW2,), 0, NCH, dtype=jnp.int32)
    inp["gi01"] = jax.random.randint(ks[7], (NX, 2), 0, 476, dtype=jnp.int32)
    inp["gi12"] = jax.random.randint(ks[8], (NX, 2), 0, 476, dtype=jnp.int32)
    inp["gi20"] = jax.random.randint(ks[9], (NX, 2), 0, 476, dtype=jnp.int32)
    inp["rc01"] = jax.random.normal(ks[10], (NX, 2), dtype=jnp.float32)
    inp["rc12"] = jax.random.normal(ks[11], (NX, 2), dtype=jnp.float32)
    inp["rc20"] = jax.random.normal(ks[12], (NX, 2), dtype=jnp.float32)
    return inp


def _build_plane(xp, wire_ids, chan_ids, nw):
    # xp: (B, NF, NT, NCH)  -- channel-major features
    # scatter-overwrite channels onto wire positions (torch: as_wires[:, :2, :, w] = x[..., c])
    aw = jnp.zeros((B, NF + 2, NT, nw), dtype=xp.dtype)
    aw = aw.at[:, :NF, :, wire_ids].set(xp[..., chan_ids])
    aw = jnp.transpose(aw, (0, 2, 3, 1))  # (B, NT, nw, NF+2)
    aw = aw.at[..., NF].set(jnp.broadcast_to(wire_ids.astype(xp.dtype), aw.shape[:-1]))
    aw = aw.at[..., NF + 1].set(jnp.broadcast_to(chan_ids.astype(xp.dtype), aw.shape[:-1]))
    return aw


def reference(x, wires_p0, chans_p0, wires_p1, chans_p1, wires_p2, chans_p2,
              gi01, gi12, gi20, rc01, rc12, rc20):
    nb = x.shape[0]
    nt = x.shape[-1]
    xp = jnp.transpose(x, (0, 1, 3, 2))  # (B, NF, NT, NCH)
    aw0 = _build_plane(xp, wires_p0, chans_p0, NW0)
    aw1 = _build_plane(xp, wires_p1, chans_p1, NW1)
    aw2 = _build_plane(xp, wires_p2, chans_p2, NW2)

    def _cross(awA, awB, gi, rc):
        a = awA[:, :, gi[:, 0], :]
        b = awB[:, :, gi[:, 1], :]
        r = jnp.broadcast_to(rc.reshape(1, 1, -1, 2), (nb, nt, rc.shape[0], 2))
        return jnp.concatenate([a, b, r], axis=-1)

    c01 = _cross(aw0, aw1, gi01, rc01)
    c12 = _cross(aw1, aw2, gi12, rc12)
    c20 = _cross(aw2, aw0, gi20, rc20)
    return jnp.concatenate([c01, c12, c20], axis=2)

if __name__ == "__main__":
    import jax
    _d = setup_inputs()
    print(jax.jit(kernel)(*tuple(_d.values())))

</pallas_src>

<mosaic_0001>
#map = affine_map<(d0, d1) -> (0, 0)>
#map1 = affine_map<(d0, d1) -> (0)>
#map2 = affine_map<(d0, d1) -> (0, 0, 0, 0)>
module attributes {stable_mosaic.version = 14 : i64} {
  func.func @_sc_body(%arg0: i32, %arg1: i32, %arg2: memref<6152x128xf32, #tpu.memory_space<hbm>>, %arg3: memref<30000xi32, #tpu.memory_space<hbm>>, %arg4: memref<30000xi32, #tpu.memory_space<hbm>>, %arg5: memref<30000xf32, #tpu.memory_space<hbm>>, %arg6: memref<30000xf32, #tpu.memory_space<hbm>>, %arg7: memref<1536xi32, #tpu.memory_space<hbm>>, %arg8: memref<1536xf32, #tpu.memory_space<hbm>>, %arg9: memref<1536xf32, #tpu.memory_space<hbm>>, %arg10: memref<2x10x30000x128xf32, #tpu.memory_space<hbm>>, %arg11: memref<1536xi32, #tpu.memory_space<vmem>>, %arg12: memref<1536xf32, #tpu.memory_space<vmem>>, %arg13: memref<1536xf32, #tpu.memory_space<vmem>>, %arg14: memref<80xi32, #tpu.memory_space<vmem>>, %arg15: memref<80xi32, #tpu.memory_space<vmem>>, %arg16: memref<80xf32, #tpu.memory_space<vmem>>, %arg17: memref<80xf32, #tpu.memory_space<vmem>>, %arg18: memref<8x80xi32, #tpu.memory_space<vmem>>, %arg19: memref<4x80x128xf32, #tpu.memory_space<vmem>>, %arg20: memref<6x80x128xf32, #tpu.memory_space<vmem>>, %arg21: memref<16xf32, #tpu.memory_space<vmem>>, %arg22: memref<!tpu.dma_semaphore, #tpu.memory_space<semaphore_mem>>, %arg23: memref<!tpu.dma_semaphore, #tpu.memory_space<semaphore_mem>>, %arg24: memref<!tpu.dma_semaphore, #tpu.memory_space<semaphore_mem>>, %arg25: memref<!tpu.dma_semaphore, #tpu.memory_space<semaphore_mem>>) attributes {dimension_semantics = [#tpu.dimension_semantics<core_parallel>, #tpu.dimension_semantics<subcore_parallel>], iteration_bounds = array<i64: 2, 16>, scalar_prefetch = 0 : i64, scratch_operands = 15 : i64, tpu.core_type = #tpu.core_type<sc_vector_subcore>, window_params = [{transform_indices = #map}, {transform_indices = #map1}, {transform_indices = #map1}, {transform_indices = #map1}, {transform_indices = #map1}, {transform_indices = #map1}, {transform_indices = #map1}, {transform_indices = #map1}, {transform_indices = #map2}]} {
    %mul3A = arith.constant 2 : i32
    %mul3A_0 = arith.muli %arg1, %mul3A : i32
    %add3A = arith.addi %mul3A_0, %arg0 : i32
    "tpu.region"() ({
      %run_scoped3A = tpu.sem_alloc : memref<!tpu.dma_semaphore, #tpu.memory_space<semaphore_mem>>
      tpu.enqueue_dma source(%arg7 : memref<1536xi32, #tpu.memory_space<hbm>>) target(%arg11 : memref<1536xi32, #tpu.memory_space<vmem>>) target_semaphore(%run_scoped3A : memref<!tpu.dma_semaphore, #tpu.memory_space<semaphore_mem>>)
      tpu.wait_dma2 semaphore(%run_scoped3A : memref<!tpu.dma_semaphore, #tpu.memory_space<semaphore_mem>>) src(%arg7 : memref<1536xi32, #tpu.memory_space<hbm>>) dst(%arg11 : memref<1536xi32, #tpu.memory_space<vmem>>)
      tpu.yield
    }) : () -> ()
    "tpu.region"() ({
      %run_scoped3A = tpu.sem_alloc : memref<!tpu.dma_semaphore, #tpu.memory_space<semaphore_mem>>
      tpu.enqueue_dma source(%arg8 : memref<1536xf32, #tpu.memory_space<hbm>>) target(%arg12 : memref<1536xf32, #tpu.memory_space<vmem>>) target_semaphore(%run_scoped3A : memref<!tpu.dma_semaphore, #tpu.memory_space<semaphore_mem>>)
      tpu.wait_dma2 semaphore(%run_scoped3A : memref<!tpu.dma_semaphore, #tpu.memory_space<semaphore_mem>>) src(%arg8 : memref<1536xf32, #tpu.memory_space<hbm>>) dst(%arg12 : memref<1536xf32, #tpu.memory_space<vmem>>)
      tpu.yield
    }) : () -> ()
    "tpu.region"() ({
      %run_scoped3A = tpu.sem_alloc : memref<!tpu.dma_semaphore, #tpu.memory_space<semaphore_mem>>
      tpu.enqueue_dma source(%arg9 : memref<1536xf32, #tpu.memory_space<hbm>>) target(%arg13 : memref<1536xf32, #tpu.memory_space<vmem>>) target_semaphore(%run_scoped3A : memref<!tpu.dma_semaphore, #tpu.memory_space<semaphore_mem>>)
      tpu.wait_dma2 semaphore(%run_scoped3A : memref<!tpu.dma_semaphore, #tpu.memory_space<semaphore_mem>>) src(%arg9 : memref<1536xf32, #tpu.memory_space<hbm>>) dst(%arg13 : memref<1536xf32, #tpu.memory_space<vmem>>)
      tpu.yield
    }) : () -> ()
    %scan3A = arith.constant 0 : i32
    %scan3A_1 = arith.constant 0 : i32
    %scan3A_2 = arith.constant 12 : i32
    %scan3A_3 = arith.addi %scan3A_1, %scan3A_2 : i32
    %scan3A_4 = arith.constant 1 : i32
    scf.for %scan3A_6 = %scan3A_1 to %scan3A_3 step %scan3A_4  : i32 {
      %mul3A_7 = arith.constant 32 : i32
      %mul3A_8 = arith.muli %mul3A_7, %scan3A_6 : i32
      %add3A_9 = arith.addi %add3A, %mul3A_8 : i32
      %lt3A = arith.constant 375 : i32
      %lt3A_10 = arith.cmpi slt, %add3A_9, %lt3A : i32
      %convert_element_type3A = arith.extui %lt3A_10 : i1 to i32
      %cond3A = arith.constant 0 : i32
      %cond3A_11 = arith.cmpi ne, %convert_element_type3A, %cond3A : i32
      scf.if %cond3A_11 {
        %mul3A_12 = arith.constant 80 : i32
        %mul3A_13 = arith.muli %add3A_9, %mul3A_12 : i32
        %multiple_of3A = tpu.assume_multiple %mul3A_13, 8 : i32
        %div3A = arith.constant 125 : i32
        %div3A_14 = arith.divsi %add3A_9, %div3A : i32
        %mul3A_15 = arith.constant 476 : i32
        %mul3A_16 = arith.muli %div3A_14, %mul3A_15 : i32
        %lt3A_17 = arith.constant 2 : i32
        %lt3A_18 = arith.cmpi slt, %div3A_14, %lt3A_17 : i32
        %add3A_19 = arith.constant 476 : i32
        %add3A_20 = arith.addi %mul3A_16, %add3A_19 : i32
        %jit3A = arith.constant 0 : i32
        %select_n3A = arith.select %lt3A_18, %add3A_20, %jit3A : i32
        %dma_start3A = tpu.memref_slice %arg3[%multiple_of3A] : memref<30000xi32, #tpu.memory_space<hbm>> -> memref<80xi32, #tpu.memory_space<hbm>>
        %dma_start3A_21 = tpu.memref_slice %arg3[%multiple_of3A] : memref<30000xi32, #tpu.memory_space<hbm>> -> memref<80xi32, #tpu.memory_space<hbm>>
        tpu.enqueue_dma source(%dma_start3A_21 : memref<80xi32, #tpu.memory_space<hbm>>) target(%arg14 : memref<80xi32, #tpu.memory_space<vmem>>) target_semaphore(%arg22 : memref<!tpu.dma_semaphore, #tpu.memory_space<semaphore_mem>>)
        %dma_start3A_22 = tpu.memref_slice %arg4[%multiple_of3A] : memref<30000xi32, #tpu.memory_space<hbm>> -> memref<80xi32, #tpu.memory_space<hbm>>
        %dma_start3A_23 = tpu.memref_slice %arg4[%multiple_of3A] : memref<30000xi32, #tpu.memory_space<hbm>> -> memref<80xi32, #tpu.memory_space<hbm>>
        tpu.enqueue_dma source(%dma_start3A_23 : memref<80xi32, #tpu.memory_space<hbm>>) target(%arg15 : memref<80xi32, #tpu.memory_space<vmem>>) target_semaphore(%arg22 : memref<!tpu.dma_semaphore, #tpu.memory_space<semaphore_mem>>)
        %dma_start3A_24 = tpu.memref_slice %arg5[%multiple_of3A] : memref<30000xf32, #tpu.memory_space<hbm>> -> memref<80xf32, #tpu.memory_space<hbm>>
        %dma_start3A_25 = tpu.memref_slice %arg5[%multiple_of3A] : memref<30000xf32, #tpu.memory_space<hbm>> -> memref<80xf32, #tpu.memory_space<hbm>>
        tpu.enqueue_dma source(%dma_start3A_25 : memref<80xf32, #tpu.memory_space<hbm>>) target(%arg16 : memref<80xf32, #tpu.memory_space<vmem>>) target_semaphore(%arg22 : memref<!tpu.dma_semaphore, #tpu.memory_space<semaphore_mem>>)
        %dma_start3A_26 = tpu.memref_slice %arg6[%multiple_of3A] : memref<30000xf32, #tpu.memory_space<hbm>> -> memref<80xf32, #tpu.memory_space<hbm>>
        %dma_start3A_27 = tpu.memref_slice %arg6[%multiple_of3A] : memref<30000xf32, #tpu.memory_space<hbm>> -> memref<80xf32, #tpu.memory_space<hbm>>
        tpu.enqueue_dma source(%dma_start3A_27 : memref<80xf32, #tpu.memory_space<hbm>>) target(%arg17 : memref<80xf32, #tpu.memory_space<vmem>>) target_semaphore(%arg22 : memref<!tpu.dma_semaphore, #tpu.memory_space<semaphore_mem>>)
        %dma_wait3A = tpu.memref_slice %arg3[%multiple_of3A] : memref<30000xi32, #tpu.memory_space<hbm>> -> memref<80xi32, #tpu.memory_space<hbm>>
        %dma_wait3A_28 = tpu.memref_slice %arg3[%multiple_of3A] : memref<30000xi32, #tpu.memory_space<hbm>> -> memref<80xi32, #tpu.memory_space<hbm>>
        tpu.wait_dma2 semaphore(%arg22 : memref<!tpu.dma_semaphore, #tpu.memory_space<semaphore_mem>>) src(%dma_wait3A_28 : memref<80xi32, #tpu.memory_space<hbm>>) dst(%arg14 : memref<80xi32, #tpu.memory_space<vmem>>)
        %dma_wait3A_29 = tpu.memref_slice %arg4[%multiple_of3A] : memref<30000xi32, #tpu.memory_space<hbm>> -> memref<80xi32, #tpu.memory_space<hbm>>
        %dma_wait3A_30 = tpu.memref_slice %arg4[%multiple_of3A] : memref<30000xi32, #tpu.memory_space<hbm>> -> memref<80xi32, #tpu.memory_space<hbm>>
        tpu.wait_dma2 semaphore(%arg22 : memref<!tpu.dma_semaphore, #tpu.memory_space<semaphore_mem>>) src(%dma_wait3A_30 : memref<80xi32, #tpu.memory_space<hbm>>) dst(%arg15 : memref<80xi32, #tpu.memory_space<vmem>>)
        %dma_wait3A_31 = tpu.memref_slice %arg5[%multiple_of3A] : memref<30000xf32, #tpu.memory_space<hbm>> -> memref<80xf32, #tpu.memory_space<hbm>>
        %dma_wait3A_32 = tpu.memref_slice %arg5[%multiple_of3A] : memref<30000xf32, #tpu.memory_space<hbm>> -> memref<80xf32, #tpu.memory_space<hbm>>
        tpu.wait_dma2 semaphore(%arg22 : memref<!tpu.dma_semaphore, #tpu.memory_space<semaphore_mem>>) src(%dma_wait3A_32 : memref<80xf32, #tpu.memory_space<hbm>>) dst(%arg16 : memref<80xf32, #tpu.memory_space<vmem>>)
        %dma_wait3A_33 = tpu.memref_slice %arg6[%multiple_of3A] : memref<30000xf32, #tpu.memory_space<hbm>> -> memref<80xf32, #tpu.memory_space<hbm>>
        %dma_wait3A_34 = tpu.memref_slice %arg6[%multiple_of3A] : memref<30000xf32, #tpu.memory_space<hbm>> -> memref<80xf32, #tpu.memory_space<hbm>>
        tpu.wait_dma2 semaphore(%arg22 : memref<!tpu.dma_semaphore, #tpu.memory_space<semaphore_mem>>) src(%dma_wait3A_34 : memref<80xf32, #tpu.memory_space<hbm>>) dst(%arg17 : memref<80xf32, #tpu.memory_space<vmem>>)
        %scan3A_35 = arith.constant 0 : i32
        %scan3A_36 = arith.constant 0 : i32
        %scan3A_37 = arith.constant 5 : i32
        %scan3A_38 = arith.addi %scan3A_36, %scan3A_37 : i32
        %scan3A_39 = arith.constant 1 : i32
        scf.for %scan3A_137 = %scan3A_36 to %scan3A_38 step %scan3A_39  : i32 {
          %mul3A_138 = arith.constant 16 : i32
          %mul3A_139 = arith.muli %scan3A_137, %mul3A_138 : i32
          %multiple_of3A_140 = tpu.assume_multiple %mul3A_139, 16 : i32
          %get3A = arith.index_cast %multiple_of3A_140 : i32 to index
          %get3A_141 = tpu.vector_load %arg14[%get3A] {strides = array<i32>} : memref<80xi32, #tpu.memory_space<vmem>>, vector<16xi32>,
          %add3A_142 = vector.broadcast %mul3A_16 : i32 to vector<16xi32>
          %add3A_143 = arith.addi %get3A_141, %add3A_142 : vector<16xi32>
          %get3A_144 = arith.index_cast %multiple_of3A_140 : i32 to index
          %get3A_145 = tpu.vector_load %arg15[%get3A_144] {strides = array<i32>} : memref<80xi32, #tpu.memory_space<vmem>>, vector<16xi32>,
          %add3A_146 = vector.broadcast %select_n3A : i32 to vector<16xi32>
          %add3A_147 = arith.addi %get3A_145, %add3A_146 : vector<16xi32>
          %gather3A = tpu.vector_load_idx %arg11[%add3A_143] : memref<1536xi32, #tpu.memory_space<vmem>>[vector<16xi32>], vector<16xi32>,
          %gather3A_148 = tpu.vector_load_idx %arg11[%add3A_147] : memref<1536xi32, #tpu.memory_space<vmem>>[vector<16xi32>], vector<16xi32>,
          %ge3A = arith.constant 0 : i32
          %ge3A_149 = vector.broadcast %ge3A : i32 to vector<16xi32>
          %ge3A_150 = arith.cmpi sge, %gather3A, %ge3A_149 : vector<16xi32>
          %ge3A_151 = arith.constant 0 : i32
          %ge3A_152 = vector.broadcast %ge3A_151 : i32 to vector<16xi32>
          %ge3A_153 = arith.cmpi sge, %gather3A_148, %ge3A_152 : vector<16xi32>
          %broadcast_in_dim3A = arith.constant 6144 : i32
          %broadcast_in_dim3A_154 = vector.broadcast %broadcast_in_dim3A : i32 to vector<16xi32>
          %select_n3A_155 = arith.select %ge3A_150, %gather3A, %broadcast_in_dim3A_154 : vector<16xi1>, vector<16xi32>
          %swap3A = arith.constant 0 : i32
          %swap3A_156 = arith.index_cast %swap3A : i32 to index
          %swap3A_157 = arith.index_cast %multiple_of3A_140 : i32 to index
          %swap3A_158 = tpu.vector_load %arg18[%swap3A_156, %swap3A_157] {strides = array<i32>} : memref<8x80xi32, #tpu.memory_space<vmem>>, vector<16xi32>,
          tpu.vector_store %arg18[%swap3A_156, %swap3A_157], %select_n3A_155 {strides = array<i32>} : memref<8x80xi32, #tpu.memory_space<vmem>>, vector<16xi32>,
          %add3A_159 = arith.constant 1536 : i32
          %add3A_160 = vector.broadcast %add3A_159 : i32 to vector<16xi32>
          %add3A_161 = arith.addi %gather3A, %add3A_160 : vector<16xi32>
          %select_n3A_162 = arith.select %ge3A_150, %add3A_161, %broadcast_in_dim3A_154 : vector<16xi1>, vector<16xi32>
          %swap3A_163 = arith.constant 1 : i32
          %swap3A_164 = arith.index_cast %swap3A_163 : i32 to index
          %swap3A_165 = arith.index_cast %multiple_of3A_140 : i32 to index
          %swap3A_166 = tpu.vector_load %arg18[%swap3A_164, %swap3A_165] {strides = array<i32>} : memref<8x80xi32, #tpu.memory_space<vmem>>, vector<16xi32>,
          tpu.vector_store %arg18[%swap3A_164, %swap3A_165], %select_n3A_162 {strides = array<i32>} : memref<8x80xi32, #tpu.memory_space<vmem>>, vector<16xi32>,
          %select_n3A_167 = arith.select %ge3A_153, %gather3A_148, %broadcast_in_dim3A_154 : vector<16xi1>, vector<16xi32>
          %swap3A_168 = arith.constant 2 : i32
          %swap3A_169 = arith.index_cast %swap3A_168 : i32 to index
          %swap3A_170 = arith.index_cast %multiple_of3A_140 : i32 to index
          %swap3A_171 = tpu.vector_load %arg18[%swap3A_169, %swap3A_170] {strides = array<i32>} : memref<8x80xi32, #tpu.memory_space<vmem>>, vector<16xi32>,
          tpu.vector_store %arg18[%swap3A_169, %swap3A_170], %select_n3A_167 {strides = array<i32>} : memref<8x80xi32, #tpu.memory_space<vmem>>, vector<16xi32>,
          %add3A_172 = arith.constant 1536 : i32
          %add3A_173 = vector.broadcast %add3A_172 : i32 to vector<16xi32>
          %add3A_174 = arith.addi %gather3A_148, %add3A_173 : vector<16xi32>
          %select_n3A_175 = arith.select %ge3A_153, %add3A_174, %broadcast_in_dim3A_154 : vector<16xi1>, vector<16xi32>
          %swap3A_176 = arith.constant 3 : i32
          %swap3A_177 = arith.index_cast %swap3A_176 : i32 to index
          %swap3A_178 = arith.index_cast %multiple_of3A_140 : i32 to index
          %swap3A_179 = tpu.vector_load %arg18[%swap3A_177, %swap3A_178] {strides = array<i32>} : memref<8x80xi32, #tpu.memory_space<vmem>>, vector<16xi32>,
          tpu.vector_store %arg18[%swap3A_177, %swap3A_178], %select_n3A_175 {strides = array<i32>} : memref<8x80xi32, #tpu.memory_space<vmem>>, vector<16xi32>,
          %add3A_180 = arith.constant 3072 : i32
          %add3A_181 = vector.broadcast %add3A_180 : i32 to vector<16xi32>
          %add3A_182 = arith.addi %gather3A, %add3A_181 : vector<16xi32>
          %select_n3A_183 = arith.select %ge3A_150, %add3A_182, %broadcast_in_dim3A_154 : vector<16xi1>, vector<16xi32>
          %swap3A_184 = arith.constant 4 : i32
          %swap3A_185 = arith.index_cast %swap3A_184 : i32 to index
          %swap3A_186 = arith.index_cast %multiple_of3A_140 : i32 to index
          %swap3A_187 = tpu.vector_load %arg18[%swap3A_185, %swap3A_186] {strides = array<i32>} : memref<8x80xi32, #tpu.memory_space<vmem>>, vector<16xi32>,
          tpu.vector_store %arg18[%swap3A_185, %swap3A_186], %select_n3A_183 {strides = array<i32>} : memref<8x80xi32, #tpu.memory_space<vmem>>, vector<16xi32>,
          %add3A_188 = arith.constant 4608 : i32
          %add3A_189 = vector.broadcast %add3A_188 : i32 to vector<16xi32>
          %add3A_190 = arith.addi %gather3A, %add3A_189 : vector<16xi32>
          %select_n3A_191 = arith.select %ge3A_150, %add3A_190, %broadcast_in_dim3A_154 : vector<16xi1>, vector<16xi32>
          %swap3A_192 = arith.constant 5 : i32
          %swap3A_193 = arith.index_cast %swap3A_192 : i32 to index
          %swap3A_194 = arith.index_cast %multiple_of3A_140 : i32 to index
          %swap3A_195 = tpu.vector_load %arg18[%swap3A_193, %swap3A_194] {strides = array<i32>} : memref<8x80xi32, #tpu.memory_space<vmem>>, vector<16xi32>,
          tpu.vector_store %arg18[%swap3A_193, %swap3A_194], %select_n3A_191 {strides = array<i32>} : memref<8x80xi32, #tpu.memory_space<vmem>>, vector<16xi32>,
          %add3A_196 = arith.constant 3072 : i32
          %add3A_197 = vector.broadcast %add3A_196 : i32 to vector<16xi32>
          %add3A_198 = arith.addi %gather3A_148, %add3A_197 : vector<16xi32>
          %select_n3A_199 = arith.select %ge3A_153, %add3A_198, %broadcast_in_dim3A_154 : vector<16xi1>, vector<16xi32>
          %swap3A_200 = arith.constant 6 : i32
          %swap3A_201 = arith.index_cast %swap3A_200 : i32 to index
          %swap3A_202 = arith.index_cast %multiple_of3A_140 : i32 to index
          %swap3A_203 = tpu.vector_load %arg18[%swap3A_201, %swap3A_202] {strides = array<i32>} : memref<8x80xi32, #tpu.memory_space<vmem>>, vector<16xi32>,
          tpu.vector_store %arg18[%swap3A_201, %swap3A_202], %select_n3A_199 {strides = array<i32>} : memref<8x80xi32, #tpu.memory_space<vmem>>, vector<16xi32>,
          %add3A_204 = arith.constant 4608 : i32
          %add3A_205 = vector.broadcast %add3A_204 : i32 to vector<16xi32>
          %add3A_206 = arith.addi %gather3A_148, %add3A_205 : vector<16xi32>
          %select_n3A_207 = arith.select %ge3A_153, %add3A_206, %broadcast_in_dim3A_154 : vector<16xi1>, vector<16xi32>
          %swap3A_208 = arith.constant 7 : i32
          %swap3A_209 = arith.index_cast %swap3A_208 : i32 to index
          %swap3A_210 = arith.index_cast %multiple_of3A_140 : i32 to index
          %swap3A_211 = tpu.vector_load %arg18[%swap3A_209, %swap3A_210] {strides = array<i32>} : memref<8x80xi32, #tpu.memory_space<vmem>>, vector<16xi32>,
          tpu.vector_store %arg18[%swap3A_209, %swap3A_210], %select_n3A_207 {strides = array<i32>} : memref<8x80xi32, #tpu.memory_space<vmem>>, vector<16xi32>,
          %gather3A_212 = tpu.vector_load_idx %arg12[%add3A_143] : memref<1536xf32, #tpu.memory_space<vmem>>[vector<16xi32>], vector<16xf32>,
          %gather3A_213 = tpu.vector_load_idx %arg13[%add3A_143] : memref<1536xf32, #tpu.memory_space<vmem>>[vector<16xi32>], vector<16xf32>,
          %gather3A_214 = tpu.vector_load_idx %arg12[%add3A_147] : memref<1536xf32, #tpu.memory_space<vmem>>[vector<16xi32>], vector<16xf32>,
          %gather3A_215 = tpu.vector_load_idx %arg13[%add3A_147] : memref<1536xf32, #tpu.memory_space<vmem>>[vector<16xi32>], vector<16xf32>,
          %get3A_216 = arith.index_cast %multiple_of3A_140 : i32 to index
          %get3A_217 = tpu.vector_load %arg16[%get3A_216] {strides = array<i32>} : memref<80xf32, #tpu.memory_space<vmem>>, vector<16xf32>,
          %get3A_218 = arith.index_cast %multiple_of3A_140 : i32 to index
          %get3A_219 = tpu.vector_load %arg17[%get3A_218] {strides = array<i32>} : memref<80xf32, #tpu.memory_space<vmem>>, vector<16xf32>,
          %get3A_220 = arith.constant 0 : index
          %get3A_221 = tpu.vector_load %arg14[%get3A_220] {strides = array<i32>} : memref<80xi32, #tpu.memory_space<vmem>>, vector<16xi32>,
          %min3A = arith.constant 0 : i32
          %min3A_222 = vector.broadcast %min3A : i32 to vector<16xi32>
          %min3A_223 = arith.minsi %get3A_221, %min3A_222 : vector<16xi32>
          %swap3A_224 = arith.constant 0 : index
          %swap3A_225 = tpu.vector_load %arg21[%swap3A_224] {strides = array<i32>} : memref<16xf32, #tpu.memory_space<vmem>>, vector<16xf32>,
          tpu.vector_store %arg21[%swap3A_224], %gather3A_212 {strides = array<i32>} : memref<16xf32, #tpu.memory_space<vmem>>, vector<16xf32>,
          %gather3A_226 = tpu.vector_load_idx %arg21[%min3A_223] : memref<16xf32, #tpu.memory_space<vmem>>[vector<16xi32>], vector<16xf32>,
          %swap3A_227 = arith.constant 0 : i32
          %swap3A_228 = arith.index_cast %swap3A_227 : i32 to index
          %swap3A_229 = arith.index_cast %multiple_of3A_140 : i32 to index
          %swap3A_230 = arith.constant 0 : index
          %swap3A_231 = tpu.vector_load %arg20[%swap3A_228, %swap3A_229, %swap3A_230] {strides = array<i32>} : memref<6x80x128xf32, #tpu.memory_space<vmem>>, vector<16xf32>,
          tpu.vector_store %arg20[%swap3A_228, %swap3A_229, %swap3A_230], %gather3A_226 {strides = array<i32>} : memref<6x80x128xf32, #tpu.memory_space<vmem>>, vector<16xf32>,
          %swap3A_232 = arith.constant 0 : index
          %swap3A_233 = tpu.vector_load %arg21[%swap3A_232] {strides = array<i32>} : memref<16xf32, #tpu.memory_space<vmem>>, vector<16xf32>,
          tpu.vector_store %arg21[%swap3A_232], %gather3A_213 {strides = array<i32>} : memref<16xf32, #tpu.memory_space<vmem>>, vector<16xf32>,
          %gather3A_234 = tpu.vector_load_idx %arg21[%min3A_223] : memref<16xf32, #tpu.memory_space<vmem>>[vector<16xi32>], vector<16xf32>,
          %swap3A_235 = arith.constant 1 : i32
          %swap3A_236 = arith.index_cast %swap3A_235 : i32 to index
          %swap3A_237 = arith.index_cast %multiple_of3A_140 : i32 to index
          %swap3A_238 = arith.constant 0 : index
          %swap3A_239 = tpu.vector_load %arg20[%swap3A_236, %swap3A_237, %swap3A_238] {strides = array<i32>} : memref<6x80x128xf32, #tpu.memory_space<vmem>>, vector<16xf32>,
          tpu.vector_store %arg20[%swap3A_236, %swap3A_237, %swap3A_238], %gather3A_234 {strides = array<i32>} : memref<6x80x128xf32, #tpu.memory_space<vmem>>, vector<16xf32>,
          %swap3A_240 = arith.constant 0 : index
          %swap3A_241 = tpu.vector_load %arg21[%swap3A_240] {strides = array<i32>} : memref<16xf32, #tpu.memory_space<vmem>>, vector<16xf32>,
          tpu.vector_store %arg21[%swap3A_240], %gather3A_214 {strides = array<i32>} : memref<16xf32, #tpu.memory_space<vmem>>, vector<16xf32>,
          %gather3A_242 = tpu.vector_load_idx %arg21[%min3A_223] : memref<16xf32, #tpu.memory_space<vmem>>[vector<16xi32>], vector<16xf32>,
          %swap3A_243 = arith.constant 2 : i32
          %swap3A_244 = arith.index_cast %swap3A_243 : i32 to index
          %swap3A_245 = arith.index_cast %multiple_of3A_140 : i32 to index
          %swap3A_246 = arith.constant 0 : index
          %swap3A_247 = tpu.vector_load %arg20[%swap3A_244, %swap3A_245, %swap3A_246] {strides = array<i32>} : memref<6x80x128xf32, #tpu.memory_space<vmem>>, vector<16xf32>,
          tpu.vector_store %arg20[%swap3A_244, %swap3A_245, %swap3A_246], %gather3A_242 {strides = array<i32>} : memref<6x80x128xf32, #tpu.memory_space<vmem>>, vector<16xf32>,
          %swap3A_248 = arith.constant 0 : index
          %swap3A_249 = tpu.vector_load %arg21[%swap3A_248] {strides = array<i32>} : memref<16xf32, #tpu.memory_space<vmem>>, vector<16xf32>,
          tpu.vector_store %arg21[%swap3A_248], %gather3A_215 {strides = array<i32>} : memref<16xf32, #tpu.memory_space<vmem>>, vector<16xf32>,
          %gather3A_250 = tpu.vector_load_idx %arg21[%min3A_223] : memref<16xf32, #tpu.memory_space<vmem>>[vector<16xi32>], vector<16xf32>,
          %swap3A_251 = arith.constant 3 : i32
          %swap3A_252 = arith.index_cast %swap3A_251 : i32 to index
          %swap3A_253 = arith.index_cast %multiple_of3A_140 : i32 to index
          %swap3A_254 = arith.constant 0 : index
          %swap3A_255 = tpu.vector_load %arg20[%swap3A_252, %swap3A_253, %swap3A_254] {strides = array<i32>} : memref<6x80x128xf32, #tpu.memory_space<vmem>>, vector<16xf32>,
          tpu.vector_store %arg20[%swap3A_252, %swap3A_253, %swap3A_254], %gather3A_250 {strides = array<i32>} : memref<6x80x128xf32, #tpu.memory_space<vmem>>, vector<16xf32>,
          %swap3A_256 = arith.constant 0 : index
          %swap3A_257 = tpu.vector_load %arg21[%swap3A_256] {strides = array<i32>} : memref<16xf32, #tpu.memory_space<vmem>>, vector<16xf32>,
          tpu.vector_store %arg21[%swap3A_256], %get3A_217 {strides = array<i32>} : memref<16xf32, #tpu.memory_space<vmem>>, vector<16xf32>,
          %gather3A_258 = tpu.vector_load_idx %arg21[%min3A_223] : memref<16xf32, #tpu.memory_space<vmem>>[vector<16xi32>], vector<16xf32>,
          %swap3A_259 = arith.constant 4 : i32
          %swap3A_260 = arith.index_cast %swap3A_259 : i32 to index
          %swap3A_261 = arith.index_cast %multiple_of3A_140 : i32 to index
          %swap3A_262 = arith.constant 0 : index
          %swap3A_263 = tpu.vector_load %arg20[%swap3A_260, %swap3A_261, %swap3A_262] {strides = array<i32>} : memref<6x80x128xf32, #tpu.memory_space<vmem>>, vector<16xf32>,
          tpu.vector_store %arg20[%swap3A_260, %swap3A_261, %swap3A_262], %gather3A_258 {strides = array<i32>} : memref<6x80x128xf32, #tpu.memory_space<vmem>>, vector<16xf32>,
          %swap3A_264 = arith.constant 0 : index
          %swap3A_265 = tpu.vector_load %arg21[%swap3A_264] {strides = array<i32>} : memref<16xf32, #tpu.memory_space<vmem>>, vector<16xf32>,
          tpu.vector_store %arg21[%swap3A_264], %get3A_219 {strides = array<i32>} : memref<16xf32, #tpu.memory_space<vmem>>, vector<16xf32>,
          %gather3A_266 = tpu.vector_load_idx %arg21[%min3A_223] : memref<16xf32, #tpu.memory_space<vmem>>[vector<16xi32>], vector<16xf32>,
          %swap3A_267 = arith.constant 5 : i32
          %swap3A_268 = arith.index_cast %swap3A_267 : i32 to index
          %swap3A_269 = arith.index_cast %multiple_of3A_140 : i32 to index
          %swap3A_270 = arith.constant 0 : index
          %swap3A_271 = tpu.vector_load %arg20[%swap3A_268, %swap3A_269, %swap3A_270] {strides = array<i32>} : memref<6x80x128xf32, #tpu.memory_space<vmem>>, vector<16xf32>,
          tpu.vector_store %arg20[%swap3A_268, %swap3A_269, %swap3A_270], %gather3A_266 {strides = array<i32>} : memref<6x80x128xf32, #tpu.memory_space<vmem>>, vector<16xf32>,
        }
        %scan3A_40 = arith.constant 5 : i32
        %dma_start3A_41 = arith.constant 0 : i32
        %dma_start3A_42 = arith.constant 0 : i32
        %dma_start3A_43 = arith.constant 0 : i32
        %dma_start3A_44 = arith.constant 0 : i32
        %dma_start3A_45 = tpu.memref_slice %arg19[%dma_start3A_42, %dma_start3A_43, %dma_start3A_44] : memref<4x80x128xf32, #tpu.memory_space<vmem>> -> memref<1x80x128xf32, #tpu.memory_space<vmem>>
        %dma_start3A_46 = tpu.memref_squeeze %dma_start3A_45 : memref<1x80x128xf32, #tpu.memory_space<vmem>> -> memref<80x128xf32, #tpu.memory_space<vmem>>
        %dma_start3A_47 = arith.constant 0 : i32
        %dma_start3A_48 = tpu.memref_slice %arg18[%dma_start3A_41, %dma_start3A_47] : memref<8x80xi32, #tpu.memory_space<vmem>> -> memref<1x80xi32, #tpu.memory_space<vmem>>
        %dma_start3A_49 = tpu.memref_squeeze %dma_start3A_48 : memref<1x80xi32, #tpu.memory_space<vmem>> -> memref<80xi32, #tpu.memory_space<vmem>>
        %dma_start3A_50 = arith.constant 0 : i32
        %dma_start3A_51 = arith.constant 0 : i32
        %dma_start3A_52 = tpu.memref_slice %arg2[%dma_start3A_50, %dma_start3A_51] : memref<6152x128xf32, #tpu.memory_space<hbm>> -> memref<6152x128xf32, #tpu.memory_space<hbm>>
        tpu.enqueue_indirect_dma source(%dma_start3A_52 : memref<6152x128xf32, #tpu.memory_space<hbm>>) target(%dma_start3A_46 : memref<80x128xf32, #tpu.memory_space<vmem>>) offsets(%dma_start3A_49 : memref<80xi32, #tpu.memory_space<vmem>>) semaphore(%arg23 : memref<!tpu.dma_semaphore, #tpu.memory_space<semaphore_mem>>)
        %dma_start3A_53 = arith.constant 1 : i32
        %dma_start3A_54 = arith.constant 1 : i32
        %dma_start3A_55 = arith.constant 0 : i32
        %dma_start3A_56 = arith.constant 0 : i32
        %dma_start3A_57 = tpu.memref_slice %arg19[%dma_start3A_54, %dma_start3A_55, %dma_start3A_56] : memref<4x80x128xf32, #tpu.memory_space<vmem>> -> memref<1x80x128xf32, #tpu.memory_space<vmem>>
        %dma_start3A_58 = tpu.memref_squeeze %dma_start3A_57 : memref<1x80x128xf32, #tpu.memory_space<vmem>> -> memref<80x128xf32, #tpu.memory_space<vmem>>
        %dma_start3A_59 = arith.constant 0 : i32
        %dma_start3A_60 = tpu.memref_slice %arg18[%dma_start3A_53, %dma_start3A_59] : memref<8x80xi32, #tpu.memory_space<vmem>> -> memref<1x80xi32, #tpu.memory_space<vmem>>
        %dma_start3A_61 = tpu.memref_squeeze %dma_start3A_60 : memref<1x80xi32, #tpu.memory_space<vmem>> -> memref<80xi32, #tpu.memory_space<vmem>>
        %dma_start3A_62 = arith.constant 0 : i32
        %dma_start3A_63 = arith.constant 0 : i32
        %dma_start3A_64 = tpu.memref_slice %arg2[%dma_start3A_62, %dma_start3A_63] : memref<6152x128xf32, #tpu.memory_space<hbm>> -> memref<6152x128xf32, #tpu.memory_space<hbm>>
        tpu.enqueue_indirect_dma source(%dma_start3A_64 : memref<6152x128xf32, #tpu.memory_space<hbm>>) target(%dma_start3A_58 : memref<80x128xf32, #tpu.memory_space<vmem>>) offsets(%dma_start3A_61 : memref<80xi32, #tpu.memory_space<vmem>>) semaphore(%arg22 : memref<!tpu.dma_semaphore, #tpu.memory_space<semaphore_mem>>)
        %dma_start3A_65 = arith.constant 2 : i32
        %dma_start3A_66 = arith.constant 2 : i32
        %dma_start3A_67 = arith.constant 0 : i32
        %dma_start3A_68 = arith.constant 0 : i32
        %dma_start3A_69 = tpu.memref_slice %arg19[%dma_start3A_66, %dma_start3A_67, %dma_start3A_68] : memref<4x80x128xf32, #tpu.memory_space<vmem>> -> memref<1x80x128xf32, #tpu.memory_space<vmem>>
        %dma_start3A_70 = tpu.memref_squeeze %dma_start3A_69 : memref<1x80x128xf32, #tpu.memory_space<vmem>> -> memref<80x128xf32, #tpu.memory_space<vmem>>
        %dma_start3A_71 = arith.constant 0 : i32
        %dma_start3A_72 = tpu.memref_slice %arg18[%dma_start3A_65, %dma_start3A_71] : memref<8x80xi32, #tpu.memory_space<vmem>> -> memref<1x80xi32, #tpu.memory_space<vmem>>
        %dma_start3A_73 = tpu.memref_squeeze %dma_start3A_72 : memref<1x80xi32, #tpu.memory_space<vmem>> -> memref<80xi32, #tpu.memory_space<vmem>>
        %dma_start3A_74 = arith.constant 0 : i32
        %dma_start3A_75 = arith.constant 0 : i32
        %dma_start3A_76 = tpu.memref_slice %arg2[%dma_start3A_74, %dma_start3A_75] : memref<6152x128xf32, #tpu.memory_space<hbm>> -> memref<6152x128xf32, #tpu.memory_space<hbm>>
        tpu.enqueue_indirect_dma source(%dma_start3A_76 : memref<6152x128xf32, #tpu.memory_space<hbm>>) target(%dma_start3A_70 : memref<80x128xf32, #tpu.memory_space<vmem>>) offsets(%dma_start3A_73 : memref<80xi32, #tpu.memory_space<vmem>>) semaphore(%arg24 : memref<!tpu.dma_semaphore, #tpu.memory_space<semaphore_mem>>)
        %dma_start3A_77 = arith.constant 3 : i32
        %dma_start3A_78 = arith.constant 3 : i32
        %dma_start3A_79 = arith.constant 0 : i32
        %dma_start3A_80 = arith.constant 0 : i32
        %dma_start3A_81 = tpu.memref_slice %arg19[%dma_start3A_78, %dma_start3A_79, %dma_start3A_80] : memref<4x80x128xf32, #tpu.memory_space<vmem>> -> memref<1x80x128xf32, #tpu.memory_space<vmem>>
        %dma_start3A_82 = tpu.memref_squeeze %dma_start3A_81 : memref<1x80x128xf32, #tpu.memory_space<vmem>> -> memref<80x128xf32, #tpu.memory_space<vmem>>
        %dma_start3A_83 = arith.constant 0 : i32
        %dma_start3A_84 = tpu.memref_slice %arg18[%dma_start3A_77, %dma_start3A_83] : memref<8x80xi32, #tpu.memory_space<vmem>> -> memref<1x80xi32, #tpu.memory_space<vmem>>
        %dma_start3A_85 = tpu.memref_squeeze %dma_start3A_84 : memref<1x80xi32, #tpu.memory_space<vmem>> -> memref<80xi32, #tpu.memory_space<vmem>>
        %dma_start3A_86 = arith.constant 0 : i32
        %dma_start3A_87 = arith.constant 0 : i32
        %dma_start3A_88 = tpu.memref_slice %arg2[%dma_start3A_86, %dma_start3A_87] : memref<6152x128xf32, #tpu.memory_space<hbm>> -> memref<6152x128xf32, #tpu.memory_space<hbm>>
        tpu.enqueue_indirect_dma source(%dma_start3A_88 : memref<6152x128xf32, #tpu.memory_space<hbm>>) target(%dma_start3A_82 : memref<80x128xf32, #tpu.memory_space<vmem>>) offsets(%dma_start3A_85 : memref<80xi32, #tpu.memory_space<vmem>>) semaphore(%arg25 : memref<!tpu.dma_semaphore, #tpu.memory_space<semaphore_mem>>)
        %dma_wait3A_89 = arith.constant 0 : i32
        %dma_wait3A_90 = arith.constant 0 : i32
        %dma_wait3A_91 = arith.constant 0 : i32
        %dma_wait3A_92 = arith.constant 0 : i32
        %dma_wait3A_93 = tpu.memref_slice %arg19[%dma_wait3A_90, %dma_wait3A_91, %dma_wait3A_92] : memref<4x80x128xf32, #tpu.memory_space<vmem>> -> memref<1x80x128xf32, #tpu.memory_space<vmem>>
        %dma_wait3A_94 = tpu.memref_squeeze %dma_wait3A_93 : memref<1x80x128xf32, #tpu.memory_space<vmem>> -> memref<80x128xf32, #tpu.memory_space<vmem>>
        %dma_wait3A_95 = arith.constant 0 : i32
        %dma_wait3A_96 = tpu.memref_slice %arg18[%dma_wait3A_89, %dma_wait3A_95] : memref<8x80xi32, #tpu.memory_space<vmem>> -> memref<1x80xi32, #tpu.memory_space<vmem>>
        %dma_wait3A_97 = tpu.memref_squeeze %dma_wait3A_96 : memref<1x80xi32, #tpu.memory_space<vmem>> -> memref<80xi32, #tpu.memory_space<vmem>>
        %dma_wait3A_98 = arith.constant 0 : i32
        %dma_wait3A_99 = arith.constant 0 : i32
        %dma_wait3A_100 = tpu.memref_slice %arg2[%dma_wait3A_98, %dma_wait3A_99] : memref<6152x128xf32, #tpu.memory_space<hbm>> -> memref<6152x128xf32, #tpu.memory_space<hbm>>
        tpu.wait_indirect_dma semaphore(%arg23 : memref<!tpu.dma_semaphore, #tpu.memory_space<semaphore_mem>>) src(%dma_wait3A_100 : memref<6152x128xf32, #tpu.memory_space<hbm>>) dst(%dma_wait3A_94 : memref<80x128xf32, #tpu.memory_space<vmem>>)
        %dma_wait3A_101 = arith.constant 1 : i32
        %dma_wait3A_102 = arith.constant 1 : i32
        %dma_wait3A_103 = arith.constant 0 : i32
        %dma_wait3A_104 = arith.constant 0 : i32
        %dma_wait3A_105 = tpu.memref_slice %arg19[%dma_wait3A_102, %dma_wait3A_103, %dma_wait3A_104] : memref<4x80x128xf32, #tpu.memory_space<vmem>> -> memref<1x80x128xf32, #tpu.memory_space<vmem>>
        %dma_wait3A_106 = tpu.memref_squeeze %dma_wait3A_105 : memref<1x80x128xf32, #tpu.memory_space<vmem>> -> memref<80x128xf32, #tpu.memory_space<vmem>>
        %dma_wait3A_107 = arith.constant 0 : i32
        %dma_wait3A_108 = tpu.memref_slice %arg18[%dma_wait3A_101, %dma_wait3A_107] : memref<8x80xi32, #tpu.memory_space<vmem>> -> memref<1x80xi32, #tpu.memory_space<vmem>>
        %dma_wait3A_109 = tpu.memref_squeeze %dma_wait3A_108 : memref<1x80xi32, #tpu.memory_space<vmem>> -> memref<80xi32, #tpu.memory_space<vmem>>
        %dma_wait3A_110 = arith.constant 0 : i32
        %dma_wait3A_111 = arith.constant 0 : i32
        %dma_wait3A_112 = tpu.memref_slice %arg2[%dma_wait3A_110, %dma_wait3A_111] : memref<6152x128xf32, #tpu.memory_space<hbm>> -> memref<6152x128xf32, #tpu.memory_space<hbm>>
        tpu.wait_indirect_dma semaphore(%arg22 : memref<!tpu.dma_semaphore, #tpu.memory_space<semaphore_mem>>) src(%dma_wait3A_112 : memref<6152x128xf32, #tpu.memory_space<hbm>>) dst(%dma_wait3A_106 : memref<80x128xf32, #tpu.memory_space<vmem>>)
        %dma_wait3A_113 = arith.constant 2 : i32
        %dma_wait3A_114 = arith.constant 2 : i32
        %dma_wait3A_115 = arith.constant 0 : i32
        %dma_wait3A_116 = arith.constant 0 : i32
        %dma_wait3A_117 = tpu.memref_slice %arg19[%dma_wait3A_114, %dma_wait3A_115, %dma_wait3A_116] : memref<4x80x128xf32, #tpu.memory_space<vmem>> -> memref<1x80x128xf32, #tpu.memory_space<vmem>>
        %dma_wait3A_118 = tpu.memref_squeeze %dma_wait3A_117 : memref<1x80x128xf32, #tpu.memory_space<vmem>> -> memref<80x128xf32, #tpu.memory_space<vmem>>
        %dma_wait3A_119 = arith.constant 0 : i32
        %dma_wait3A_120 = tpu.memref_slice %arg18[%dma_wait3A_113, %dma_wait3A_119] : memref<8x80xi32, #tpu.memory_space<vmem>> -> memref<1x80xi32, #tpu.memory_space<vmem>>
        %dma_wait3A_121 = tpu.memref_squeeze %dma_wait3A_120 : memref<1x80xi32, #tpu.memory_space<vmem>> -> memref<80xi32, #tpu.memory_space<vmem>>
        %dma_wait3A_122 = arith.constant 0 : i32
        %dma_wait3A_123 = arith.constant 0 : i32
        %dma_wait3A_124 = tpu.memref_slice %arg2[%dma_wait3A_122, %dma_wait3A_123] : memref<6152x128xf32, #tpu.memory_space<hbm>> -> memref<6152x128xf32, #tpu.memory_space<hbm>>
        tpu.wait_indirect_dma semaphore(%arg24 : memref<!tpu.dma_semaphore, #tpu.memory_space<semaphore_mem>>) src(%dma_wait3A_124 : memref<6152x128xf32, #tpu.memory_space<hbm>>) dst(%dma_wait3A_118 : memref<80x128xf32, #tpu.memory_space<vmem>>)
        %dma_wait3A_125 = arith.constant 3 : i32
        %dma_wait3A_126 = arith.constant 3 : i32
        %dma_wait3A_127 = arith.constant 0 : i32
        %dma_wait3A_128 = arith.constant 0 : i32
        %dma_wait3A_129 = tpu.memref_slice %arg19[%dma_wait3A_126, %dma_wait3A_127, %dma_wait3A_128] : memref<4x80x128xf32, #tpu.memory_space<vmem>> -> memref<1x80x128xf32, #tpu.memory_space<vmem>>
        %dma_wait3A_130 = tpu.memref_squeeze %dma_wait3A_129 : memref<1x80x128xf32, #tpu.memory_space<vmem>> -> memref<80x128xf32, #tpu.memory_space<vmem>>
        %dma_wait3A_131 = arith.constant 0 : i32
        %dma_wait3A_132 = tpu.memref_slice %arg18[%dma_wait3A_125, %dma_wait3A_131] : memref<8x80xi32, #tpu.memory_space<vmem>> -> memref<1x80xi32, #tpu.memory_space<vmem>>
        %dma_wait3A_133 = tpu.memref_squeeze %dma_wait3A_132 : memref<1x80xi32, #tpu.memory_space<vmem>> -> memref<80xi32, #tpu.memory_space<vmem>>
        %dma_wait3A_134 = arith.constant 0 : i32
        %dma_wait3A_135 = arith.constant 0 : i32
        %dma_wait3A_136 = tpu.memref_slice %arg2[%dma_wait3A_134, %dma_wait3A_135] : memref<6152x128xf32, #tpu.memory_space<hbm>> -> memref<6152x128xf32, #tpu.memory_space<hbm>>
        tpu.wait_indirect_dma semaphore(%arg25 : memref<!tpu.dma_semaphore, #tpu.memory_space<semaphore_mem>>) src(%dma_wait3A_136 : memref<6152x128xf32, #tpu.memory_space<hbm>>) dst(%dma_wait3A_130 : memref<80x128xf32, #tpu.memory_space<vmem>>)
      } else {
      }
    }
    %scan3A_5 = arith.constant 12 : i32
    return
  }
}

</mosaic_0001>

<sc_bundles>
// kernel: kernel.3.cloned.1.call-start
scs
__scs_entry_jumppad:
0x0: {  	(pc) =	sbr.rel $0x88, $3  }
0x1: {  	(tag) =	ssettag $0x0;
	lr =	simm.s32 $0x1  }
0x2: {  	[smem:$0x3F94] =	sst lr;
	_ =	strace $0xD0000000  }
0x3: {  	_ = 	snop  }
0x4: {  	_ = 	snop  }
0x5: {  	_ = 	snop  }
0x6: {  	_ = 	snop  }
0x7: {  	_ = 	snop  }
__scs_overlays_trampoline_lowered:
0x8: {  	[smem:$0x3FA3] =	sst s0  }
0x9: {  	[smem:$0x3FA4] =	sst s1  }
0xa: {  	[smem:$0x3FA5] =	sst s2  }
0xb: {  	[smem:$0x3FA6] =	sst s3  }
0xc: {  	[smem:$0x3FA7] =	sst s4  }
0xd: {  	[smem:$0x3FA8] =	sst s5  }
0xe: {  	[smem:$0x3FA9] =	sst s6  }
0xf: {  	[smem:$0x3FAA] =	sst s7  }
0x10: {  	[smem:$0x3FAB] =	sst s8  }
0x11: {  	[smem:$0x3FAC] =	sst s9;
	s0 =	simm.s32 @!p0 $0x0  }
0x12: {  	s1 =	sld [smem:$0x3F92];
	s0 =	simm.s32 @p0 $0x1  }
0x13: {  	[smem:$0x3FAD] =	sst s0;
	s0 =	simm.s32 @!p1 $0x0  }
0x14: {  	s2 =	sld [smem:$0x3F91];
	s0 =	simm.s32 @p1 $0x1  }
0x15: {  	[smem:$0x3FAE] =	sst s0;
	s0 =	simm.s32 @!p2 $0x0  }
0x16: {  	s3 =	sld [smem:$0x3FDB];
	s0 =	simm.s32 @p2 $0x1  }
0x17: {  	s4 =	simm.s32 $0x1BF5;
	[smem:$0x3FB0] =	sst s0  }
0x18: {  	s0 =	sld [smem:$0x3F93];
	_ =	swait.ge [sflag:s4], $0x0  }
0x19: {  	s7 =	sld [smem:$0x3F94]  }
0x1a: {  	s8 =	sadd.s32 $0xFFFFE003, lr  }
0x1b: {  	s9 =	sadd.s32 $0xFFFFFEF7, lr;
	s5 =	simm.s32 $0xFFFFFFFF;
	p2 =	slt.u32 s8, $0xFFFFF086  }
0x1c: {  	p1 =	slt.u32 s9, $0xF7A;
	s5 =	simm.s32 @!p2 $0x0  }
0x1d: {  	s5 =	simm.s32 @p1 $0x1;
	p0 =	seq.s32 s7, s2  }
0x1e: {  	s7 =	smul.u32 @!p0 $0xF7A, s2;
	p2 =	seq.s32 @!p0 s5, $0x0  }
0x1f: {  	s9 =	smul.u32 $0xF7A, s1;
	s8 =	simm.s32 @!p0 $0x1BF5;
	p2 =	por !p2, p0  }
0x20: {  	[sflag:s8] =	ssyncset.s32 @!p0 $0xFFFFF086;
	s6 =	sadd.s32 @!p0 s3, s7;
	s7 =	simm.s32 @!p0 $0x108  }
0x21: {  	s3 =	sadd.s32 s3, s9;
	s6 =	sadd.s32 @!p0 $0x88, s6;
	s7 =	simm.s32 @p2 $0x1082  }
0x22: {  	[simem:s7], [sflag:s8] =	dma.local @!p0 [hbm:s6], $0xF7A  }
0x23: {  	s9 =	sor.u32 $0xD0000000, s2;
	s6 =	simm.s32 $0x108;
	_ =	swait.ge @!p0 [sflag:s8], $0x0  }
0x24: {  	s3 =	sadd.s32 $0x88, s3;
	s6 =	simm.s32 @!p1 $0x1082;
	[sflag:s4] =	ssyncset.s32 $0xFFFFF086  }
0x25: {  	[simem:s6], [sflag:s4] =	dma.local [hbm:s3], $0xF7A  }
0x26: {  	[smem:$0x3F94] =	sst s1;
	(tag) =	ssettag s2;
	_ =	strace s9  }
0x27: {  	s1 =	sld [smem:$0x3FA4]  }
0x28: {  	s2 =	sld [smem:$0x3FA5]  }
0x29: {  	s4 =	sld [smem:$0x3FA7]  }
0x2a: {  	p0 =	seq.s32 s5, $0x0;
	s5 =	sld [smem:$0x3FA8]  }
0x2b: {  	s6 =	sld [smem:$0x3FA9]  }
0x2c: {  	s7 =	sld [smem:$0x3FAA]  }
0x2d: {  	s3 =	simm.s32 $0x108;
	s8 =	sld [smem:$0x3FAB]  }
0x2e: {  	s3 =	simm.s32 @!p0 $0x1082;
	s9 =	sld [smem:$0x3FAC]  }
0x2f: {  	lr =	sadd.s32 s0, s3;
	s0 =	sld [smem:$0x3FA3]  }
0x30: {  	s3 =	sld [smem:$0x3FA6]  }
0x31: {  	[smem:$0x3FAF] =	sst s10  }
0x32: {  	s10 =	sld [smem:$0x3FAD];
	_ =	sdelay $0x3  }
0x33: {  	p0 =	seq.s32 s10, $0x1;
	s10 =	sld [smem:$0x3FAF];
	_ =	sdelay $0x3  }
0x34: {  	[smem:$0x3FAF] =	sst s10  }
0x35: {  	s10 =	sld [smem:$0x3FAE];
	_ =	sdelay $0x3  }
0x36: {  	p1 =	seq.s32 s10, $0x1;
	s10 =	sld [smem:$0x3FAF];
	_ =	sdelay $0x3  }
0x37: {  	[smem:$0x3FAF] =	sst s10  }
0x38: {  	s10 =	sld [smem:$0x3FB0]  }
0x39: {  	_ = 	snop;
	(pc) =	sbr.ind lr, $3  }
0x3a: {  	_ = 	snop  }
0x3b: {  	_ = 	snop  }
0x3c: {  	p2 =	seq.s32 s10, $0x1;
	s10 =	sld [smem:$0x3FAF]  }
0x3d: {  	_ =	shalt  }
0x3e: {  	_ =	shalt  }
0x3f: {  	_ =	shalt  }
0x40: {  	_ =	shalt  }
0x41: {  	_ =	shalt  }
0x42: {  	_ =	shalt  }
0x43: {  	_ =	shalt  }
0x44: {  	_ =	shalt  }
0x45: {  	_ =	shalt  }
0x46: {  	_ =	shalt  }
0x47: {  	_ =	shalt  }
0x48: {  	_ =	shalt  }
0x49: {  	_ =	shalt  }
0x4a: {  	_ =	shalt  }
0x4b: {  	_ =	shalt  }
0x4c: {  	_ =	shalt  }
0x4d: {  	_ =	shalt  }
0x4e: {  	_ =	shalt  }
0x4f: {  	_ =	shalt  }
0x50: {  	_ =	shalt  }
0x51: {  	_ =	shalt  }
0x52: {  	_ =	shalt  }
0x53: {  	_ =	shalt  }
0x54: {  	_ =	shalt  }
0x55: {  	_ =	shalt  }
0x56: {  	_ =	shalt  }
0x57: {  	_ =	shalt  }
0x58: {  	_ =	shalt  }
0x59: {  	_ =	shalt  }
0x5a: {  	_ =	shalt  }
0x5b: {  	_ =	shalt  }
0x5c: {  	_ =	shalt  }
0x5d: {  	_ =	shalt  }
0x5e: {  	_ =	shalt  }
0x5f: {  	_ =	shalt  }
0x60: {  	_ =	shalt  }
0x61: {  	_ =	shalt  }
0x62: {  	_ =	shalt  }
0x63: {  	_ =	shalt  }
0x64: {  	_ =	shalt  }
0x65: {  	_ =	shalt  }
0x66: {  	_ =	shalt  }
0x67: {  	_ =	shalt  }
0x68: {  	_ =	shalt  }
0x69: {  	_ =	shalt  }
0x6a: {  	_ =	shalt  }
0x6b: {  	_ =	shalt  }
0x6c: {  	_ =	shalt  }
0x6d: {  	_ =	shalt  }
0x6e: {  	_ =	shalt  }
0x6f: {  	_ =	shalt  }
0x70: {  	_ =	shalt  }
0x71: {  	_ =	shalt  }
0x72: {  	_ =	shalt  }
0x73: {  	_ =	shalt  }
0x74: {  	_ =	shalt  }
0x75: {  	_ =	shalt  }
0x76: {  	_ =	shalt  }
0x77: {  	_ =	shalt  }
0x78: {  	_ =	shalt  }
0x79: {  	_ =	shalt  }
0x7a: {  	_ =	shalt  }
0x7b: {  	_ =	shalt  }
0x7c: {  	_ =	shalt  }
0x7d: {  	_ =	shalt  }
0x7e: {  	_ =	shalt  }
0x7f: {  	_ =	shalt  }
0x80: {  	_ =	shalt  }
0x81: {  	_ =	shalt  }
0x82: {  	_ =	shalt  }
0x83: {  	_ =	shalt  }
0x84: {  	_ =	shalt  }
0x85: {  	_ =	shalt  }
0x86: {  	_ =	shalt  }
0x87: {  	_ =	shalt  }
.Lfunc_end0:
.L_simem_size_0:
called_computation_lowered:
.L_overlay_start_0:
0x88: {  	s2 =	sld [smem:$0x3FD9]  }
0x89: {  	s3 =	sld [smem:$0x3FFE];
	_ =	sdelay $0x1  }
0x8a: {  	s1 =	srdreg.scid  }
0x8b: {  	s0 =	sand.u32 $0x1, s1  }
0x8c: {  	s16 =	sshll.u32 s0, $0xA;
	s2 =	sadd.s32 s3, s2  }
0x8d: {  	s2 =	sadd.s32 s2, s16  }
0x8e: {  	[smem:$0x3FBB] =	sst s2  }
0x8f: {  	_ = 	snop  }
0x90: {  	(tm) =	ssettm $0x1  }
0x91: {  	s17 =	sld [smem:$0x3FFB];
	_ =	sdelay $0x3  }
0x92: {  	_ =	strace s17  }
0x93: {  	s2 =	sld [smem:$0x3FFC];
	_ =	sdelay $0x3  }
0x94: {  	_ =	strace s2  }
0x95: {  	s2 =	sld [smem:$0x3FFD];
	_ =	sdelay $0x3  }
0x96: {  	_ =	strace s2  }
0x97: {  	_ =	strace $0x8FFFFFFF  }
0x98: {  	s18 =	sld [smem:$0x3FDB];
	_ =	sdelay $0x1  }
0x99: {  	s19 =	simm.s32 $_scs_section_size  }
0x9a: {  	s4 =	simm.s32 $_size__tile_overlayer_lowered;
	s5 =	simm.s32 $_tile_overlayer_lowered  }
0x9b: {  	s22 =	simm.s32 $0x1BFF;
	s21 =	sshll.u32 s5, $0x1;
	s2 =	sadd.s32 s19, s18  }
0x9c: {  	s6 =	simm.s32 $0x0;
	s20 =	sshll.u32 s4, $0x1;
	s4 =	sadd.s32 s21, s2  }
0x9d: {  	[timem:s6], [sflag:s22] =	dma.local [hbm:s4], s20  }
0x9e: {  	_ =	swait.ge [sflag:s22], s20  }
0x9f: {  	s3 =	ssub.s32 $0x0, s20;
	[sflag:s22] =	ssyncset.done $0x0  }
0xa0: {  	[sflag:s22] =	ssyncadd.s32 s3;
	_ =	sdelay $0x1  }
0xa1: {  	s23 =	simm.s32 $0x1B8B  }
0xa2: {  	_ =	swait.ge [sflag:s23], $0x1  }
0xa3: {  	[sflag:s23] =	ssyncset.done $0x0  }
0xa4: {  	s25 =	simm.s32 $0x1B8E;
	s24 =	sld [smem:$0x3FFE];
	[sflag:s23] =	ssyncadd.s32 $0xFFFFFFFF  }
0xa5: {  	s26 =	simm.s32 $execute0_lowered;
	[smem:$0x3FD2] =	sst s25  }
0xa6: {  	s4 =	sshll.u32 s26, $0x1;
	_ =	strace $0x80000046;
	[dreg:$0x1] =	wrdreg $0xFFFFFFFF  }
0xa7: {  	s28 =	simm.s32 $_size_execute0_lowered;
	s2 =	sadd.s32 s2, s4;
	[dreg:$0x0] =	wrdreg $0x0  }
0xa8: {  	s4 =	sshll.u32 s28, $0x1;
	[dreg:$0x2] =	wrdreg s2  }
0xa9: {  	[dreg:$0x3] =	wrdreg s4  }
0xaa: {  	[dreg:$0x4] =	wrdreg $0xC0  }
0xab: {  	_ =	task [dreg:s6], $0x5FFFF  }
0xac: {  	[dreg:$0x1] =	wrdreg $0xFFFFFFFF  }
0xad: {  	[dreg:$0x0] =	wrdreg $0x60  }
0xae: {  	[dreg:$0x2] =	wrdreg s24  }
0xaf: {  	[dreg:$0x3] =	wrdreg $0x9  }
0xb0: {  	_ =	task.clear_ibuf [dreg:s6], $0x4FFFF;
	_ =	strace $0x90000046  }
0xb1: {  	s29 =	simm.s32 $0x9;
	_ =	strace $0x80000048  }
0xb2: {  	_ =	swait.ge [sflag:s29], $0x1  }
0xb3: {  	[sflag:s29] =	ssyncadd.s32 $0xFFFFFFFF  }
0xb4: {  	_ =	strace $0x90000048  }
0xb5: {  	_ =	sfence  }
0xb6: {  	s30 =	sld [smem:$0x0];
	_ =	sdelay $0x2  }
0xb7: {  	s31 =	sshll.u32 s1, $0xD;
	s1 =	sshrl.u32 s1, $0x2  }
0xb8: {  	s3 =	sand.u32 $0x4000, s31;
	s1 =	sadd.s32 s1, s30  }
0xb9: {  	s0 =	sor.u32 s3, s0;
	s1 =	sshll.u32 s1, $0x11  }
0xba: {  	s0 =	sor.u32 s1, s0  }
0xbb: {  	s0 =	sadd.s32 $0x8F2B, s0  }
0xbc: {  	[sflag:s0] =	ssyncadd.remote.s32 $0x1  }
0xbd: {  	_ =	sfence.sel $0xFFFF  }
0xbe: {  	[dreg:$0x0] =	wrdreg $0xFFFFFFFF;
	(pc) =	sbr.abs _section_cstart, $3  }
0xbf: {  	[dreg:$0x1] =	wrdreg $0xFFFFFFFF  }
0xc0: {  	_ =	task.clear_ibuf [dreg:s6], $0x2FFFF;
	_ =	strace $0x9FFFFFFF  }
0xc1: {  	(tm) =	ssettm $0x7FFFFFFF  }
tec
execute0_lowered:
.L_overlay_start_1:
0x0: {  	(tag) =	ssettag $0x1  }
0x1: {  	s8 =	rddreg [dreg:$0x0]  }
0x2: {  	s2 =	simm.s32 $0x0;
	s0 =	srdreg.scid;
	s26 =	stileid.u32  }
0x3: {  	s15 =	simm.s32 $0x600;
	s16 =	simm.s32 $0xC00;
	s21 =	simm.s32 $0x1  }
0x4: {  	s22 =	simm.s32 $0x1A800;
	s23 =	simm.s32 $0x50;
	s28 =	simm.s32 $0x4000  }
0x5: {  	s29 =	simm.s32 $0x1500;
	s30 =	simm.s32 $0x6800;
	s31 =	simm.s32 $0x1580  }
0x6: {  	s10 =	simm.s32 $0x4;
	s13 =	simm.s32 $0x0;
	s24 =	simm.s32 $0x1300  }
0x7: {  	[smem:$0x7FF] =	sst s2;
	s3 =	sadd.s32 $0x400, s8;
	s4 =	sadd.s32 $0x19800, s8  }
0x8: {  	s5 =	sand.u32 $0x1, s0;
	s6 =	sadd.s32 $0x18800, s8;
	s7 =	sadd.s32 $0x1B800, s8  }
0x9: {  	s9 =	sadd.s32 $0x1A800, s8;
	s1 =	sadd.s32 $0x18600, s8;
	s8 =	sadd.s32 $0x200, s8  }
.Ltmp0:
0xa: {  	s12 =	sshll.u32 s26, $0x1;
	s0 =	ssub.s32 $0x2, s5;
	(pc) =	sbr.rel .LBB2_1-.Ltmp0, $4  }
0xb: {  	_ =	strace $0x80000047;
	[dreg:$0x2] =	wrdreg s1;
	s25 =	sshrl.u32 s0, $0x1  }
0xc: {  	s26 =	simm.s32 $0x1480;
	[dreg:$0x3] =	wrdreg s8;
	s0 =	ssub.s32 s0, s25  }
0xd: {  	s8 =	simm.s32 $0x2;
	s1 =	simm.s32 $0x3;
	s0 =	smax.u32 s0, $0x1  }
0xe: {  	s25 =	simm.s32 $0x1800;
	[dreg:$0x4] =	wrdreg s0;
	s0 =	simm.s32 $0x9000  }
.LBB2_7:
0xf: {  	s13 =	rddreg [dreg:$0x5]  }
0x10: {  	s11 =	rddreg [dreg:$0x4];
	s13 =	sadd.s32 $0x1, s13  }
0x11: {  	p0 =	sne.s32 s13, s11  }
.Ltmp1:
0x12: {  	_ = 	snop;
	(pc) =	sbr.rel @!p0 .LBB2_8-.Ltmp1, $1  }
0x13: {  	_ =	sdelay $0x3  }
.LBB2_1:
0x14: {  	[dreg:$0x5] =	wrdreg s13  }
0x15: {  	s11 =	rddreg [dreg:$0x2];
	s18 =	simm.s32 $0x5  }
0x16: {  	[tilespmem:s2], [sflag:$0x5] =	stream.linear.gather [hbm4b:s11+s2], $0x600, $0x38;
	[tilespmem:$0x1A880] =	vst v63  }
0x17: {  	_ =	swait.ge [sflag:s18], $0x600  }
0x18: {  	[sflag:s18] =	ssyncset.done $0x0  }
0x19: {  	[sflag:s18] =	ssyncadd.s32 $0xFFFFFA00  }
0x1a: {  	s19 =	rddreg [dreg:$0x0]  }
0x1b: {  	[tilespmem:s15], [sflag:$0x5] =	stream.linear.gather [hbm4b:s19+s2], $0x600, $0x38;
	[tilespmem:$0x1A880] =	vst v63  }
0x1c: {  	_ =	swait.ge [sflag:s18], $0x600  }
0x1d: {  	[sflag:s18] =	ssyncset.done $0x0  }
.Ltmp2:
0x1e: {  	s20 =	rddreg [dreg:$0x3];
	[sflag:s18] =	ssyncadd.s32 $0xFFFFFA00;
	(pc) =	sbr.rel .LBB2_2-.Ltmp2, $4  }
0x1f: {  	[tilespmem:s16], [sflag:$0x5] =	stream.linear.gather [hbm4b:s20+s2], $0x600, $0x38;
	[tilespmem:$0x1A880] =	vst v63  }
0x20: {  	_ =	swait.ge [sflag:s18], $0x600  }
0x21: {  	[sflag:s18] =	ssyncset.done $0x0  }
0x22: {  	s13 =	simm.s32 $0x0;
	[sflag:s18] =	ssyncadd.s32 $0xFFFFFA00  }
.LBB2_6:
0x23: {  	s13 =	sadd.s32 $0x1, s13  }
0x24: {  	p0 =	sne.s32 s13, $0xC  }
.Ltmp3:
0x25: {  	_ = 	snop;
	(pc) =	sbr.rel @!p0 .LBB2_7-.Ltmp3, $1  }
0x26: {  	_ =	sdelay $0x3  }
.LBB2_2:
0x27: {  	s11 =	sshll.u32 s13, $0x5  }
0x28: {  	s11 =	sor.u32 s12, s11  }
0x29: {  	s17 =	sor.u32 s5, s11  }
0x2a: {  	p0 =	sgt.u32 s17, $0x176  }
.Ltmp4:
0x2b: {  	_ = 	snop;
	(pc) =	sbr.rel @p0 .LBB2_6-.Ltmp4, $1  }
0x2c: {  	_ =	sdelay $0x3  }
0x2d: {  	s18 =	smul.u32 $0xA, s17;
	_ =	sdelay $0x1  }
0x2e: {  	s14 =	simm.s32 $0x0;
	s20 =	simm.s32 $0x1200;
	s19 =	sadd.s32 s4, s18  }
0x2f: {  	[tilespmem:s20], [sflag:$0x1] =	stream.linear.gather [hbm4b:s19+s14], $0x50, $0x38;
	[tilespmem:$0x1A880] =	vst v63  }
0x30: {  	s19 =	sadd.s32 s6, s18;
	s20 =	simm.s32 $0x1280  }
0x31: {  	[tilespmem:s20], [sflag:$0x1] =	stream.linear.gather [hbm4b:s19+s14], $0x50, $0x38;
	[tilespmem:$0x1A880] =	vst v63  }
0x32: {  	s19 =	smul.u32 $0x625, s17;
	s20 =	sadd.s32 s7, s18  }
0x33: {  	[tilespmem:s24], [sflag:$0x1] =	stream.linear.gather [hbm4b:s20+s14], $0x50, $0x38;
	[tilespmem:$0x1A880] =	vst v63  }
0x34: {  	s18 =	sadd.s32 s9, s18;
	s19 =	sshrl.u32 s19, $0x10;
	s20 =	simm.s32 $0x1380  }
0x35: {  	[tilespmem:s20], [sflag:$0x1] =	stream.linear.gather [hbm4b:s18+s14], $0x50, $0x38;
	[tilespmem:$0x1A880] =	vst v63  }
0x36: {  	s20 =	ssub.s32 s17, s19;
	_ =	swait.ge [sflag:s21], $0x50  }
0x37: {  	s17 =	sand.u32 $0xFFFE, s20;
	[sflag:s21] =	ssyncset.done $0x0  }
0x38: {  	s17 =	sshrl.u32 s17, $0x1;
	[sflag:s21] =	ssyncadd.s32 $0xFFFFFFB0  }
0x39: {  	s17 =	sadd.s32 s19, s17;
	_ =	swait.ge [sflag:s21], $0x50  }
0x3a: {  	s17 =	sand.u32 $0xFFC0, s17;
	[sflag:s21] =	ssyncset.done $0x0  }
0x3b: {  	s17 =	sshrl.u32 s17, $0x6;
	[sflag:s21] =	ssyncadd.s32 $0xFFFFFFB0  }
0x3c: {  	s17 =	smul.u32 $0x1DC, s17;
	_ =	swait.ge [sflag:s21], $0x50  }
0x3d: {  	[sflag:s21] =	ssyncset.done $0x0  }
0x3e: {  	s17 =	sand.u32 $0xFFFC, s17;
	[sflag:s21] =	ssyncadd.s32 $0xFFFFFFB0  }
0x3f: {  	p0 =	slt.u32 s11, $0xFA;
	s11 =	sadd.s32 $0x1DC, s17;
	_ =	swait.ge [sflag:s21], $0x50  }
0x40: {  	s11 =	simm.s32 @!p0 $0x0;
	[sflag:s21] =	ssyncset.done $0x0  }
0x41: {  	v0 =	vmov s17;
	v1 =	vmov s11;
	s11 =	simm.s32 $0x0;
	[sflag:s21] =	ssyncadd.s32 $0xFFFFFFB0  }
.LBB2_4:
0x42: {  	s17 =	sshra.s32 s11, $0x2  }
0x43: {  	v2 =	vld [tilespmem:s17+$0x1200];
	_ =	sdelay $0x1  }
0x44: {  	v3 =	vld [tilespmem:s17+$0x1280];
	_ =	sdelay $0x2  }
0x45: {  	v2 =	vadd.s32 v0, v2;
	_ =	sdelay $0x1  }
0x46: {  	v3 =	vadd.s32 v1, v3;
	_ =	sdelay $0x2  }
0x47: {  	v4 =	vld.idx.msk [tilespmem:v2+s2+$0x0], $0xffff;
	_ =	sdelay $0x1  }
0x48: {  	v5 =	vld.idx.msk [tilespmem:v3+s2+$0x0], $0xffff;
	_ =	sdelay $0x2  }
0x49: {  	vm0 =	vgt.s32 v4, $0xFFFFFFFF  }
0x4a: {  	v7 =	vadd.s32 $0x600, v4;
	v6 =	vnsel vm0, $0x1800, v4  }
0x4b: {  	vm1 =	vgt.s32 v5, $0xFFFFFFFF;
	v51 =	vnsel vm0, $0x1800, v7;
	[tilespmem:s17+$0x1400] =	vst v6  }
0x4c: {  	v53 =	vadd.s32 $0x600, v5;
	v52 =	vnsel vm1, $0x1800, v5;
	[tilespmem:s17+$0x1480] =	vst v51  }
0x4d: {  	v55 =	vadd.s32 $0xC00, v4;
	v54 =	vnsel vm1, $0x1800, v53;
	[tilespmem:s17+$0x1500] =	vst v52  }
0x4e: {  	v57 =	vadd.s32 $0xC00, v5;
	v56 =	vnsel vm0, $0x1800, v55;
	[tilespmem:s17+$0x1580] =	vst v54  }
0x4f: {  	v4 =	vadd.s32 $0x1200, v4;
	v58 =	vnsel vm1, $0x1800, v57;
	[tilespmem:s17+$0x1600] =	vst v56  }
0x50: {  	v5 =	vadd.s32 $0x1200, v5;
	v4 =	vnsel vm0, $0x1800, v4;
	[tilespmem:s17+$0x1700] =	vst v58  }
0x51: {  	v59 =	vnsel vm1, $0x1800, v5;
	[tilespmem:s17+$0x1680] =	vst v4  }
0x52: {  	[tilespmem:s17+$0x1780] =	vst v59  }
0x53: {  	v4 =	vld [tilespmem:$0x1200];
	_ =	sdelay $0x4  }
0x54: {  	v60 =	vld.idx.msk [tilespmem:v2+s15+$0x0], $0xffff;
	v61 =	vshra.s32 v4, $0x1F  }
0x55: {  	v63 =	vld [tilespmem:s17+$0x1300];
	v4 =	vand.u32 v61, v4  }
0x56: {  	v8 =	vld [tilespmem:s17+$0x1380]  }
0x57: {  	v2 =	vld.idx.msk [tilespmem:v2+s16+$0x0], $0xffff  }
0x58: {  	v62 =	vld.idx.msk [tilespmem:v3+s15+$0x0], $0xffff  }
0x59: {  	v3 =	vld.idx.msk [tilespmem:v3+s16+$0x0], $0xffff;
	[tilespmem:$0x1A800] =	vst v60  }
0x5a: {  	v5 =	vld.idx.msk [tilespmem:v4+s22+$0x0], $0xffff;
	_ =	sdelay $0x3  }
0x5b: {  	s20 =	sshra.s32 s14, $0x2  }
0x5c: {  	[tilespmem:s20+$0xB800] =	vst v5  }
0x5d: {  	[tilespmem:$0x1A800] =	vst v2  }
0x5e: {  	v2 =	vld.idx.msk [tilespmem:v4+s22+$0x0], $0xffff;
	_ =	sdelay $0x4  }
0x5f: {  	[tilespmem:s20+$0xE000] =	vst v2  }
0x60: {  	[tilespmem:$0x1A800] =	vst v62  }
0x61: {  	v2 =	vld.idx.msk [tilespmem:v4+s22+$0x0], $0xffff;
	_ =	sdelay $0x4  }
0x62: {  	[tilespmem:s20+$0x10800] =	vst v2  }
0x63: {  	[tilespmem:$0x1A800] =	vst v3  }
0x64: {  	v2 =	vld.idx.msk [tilespmem:v4+s22+$0x0], $0xffff;
	_ =	sdelay $0x4  }
0x65: {  	[tilespmem:s20+$0x13000] =	vst v2  }
0x66: {  	[tilespmem:$0x1A800] =	vst v63  }
0x67: {  	v2 =	vld.idx.msk [tilespmem:v4+s22+$0x0], $0xffff;
	_ =	sdelay $0x4  }
0x68: {  	[tilespmem:s20+$0x15800] =	vst v2  }
0x69: {  	[tilespmem:$0x1A800] =	vst v8  }
0x6a: {  	p0 =	sne.s32 s11, $0x100;
	v2 =	vld.idx.msk [tilespmem:v4+s22+$0x0], $0xffff  }
.Ltmp5:
0x6b: {  	_ = 	snop;
	(pc) =	sbr.rel @p0 .LBB2_4-.Ltmp5, $2  }
0x6c: {  	_ =	sdelay $0x2  }
0x6d: {  	s14 =	sadd.s32 $0x2000, s14;
	s11 =	sadd.s32 $0x40, s11;
	[tilespmem:s20+$0x18000] =	vst v2  }
0x6e: {  	s11 =	simm.s32 $0x1400  }
0x6f: {  	[tilespmem:s25], [sflag:$0x2] =	stream.indirect.gather [hbm4b:s3+s23], $0x80, s11, s23, $0xb8;
	[tilespmem:$0x1A880] =	vst v63  }
0x70: {  	_ = 	snop  }
0x71: {  	[tilespmem:s28], [sflag:$0x1] =	stream.indirect.gather [hbm4b:s3+s23], $0x80, s26, s23, $0xb8;
	[tilespmem:$0x1A880] =	vst v63  }
0x72: {  	_ = 	snop  }
0x73: {  	[tilespmem:s30], [sflag:$0x3] =	stream.indirect.gather [hbm4b:s3+s23], $0x80, s29, s23, $0xb8;
	[tilespmem:$0x1A880] =	vst v63  }
0x74: {  	_ = 	snop  }
0x75: {  	[tilespmem:s0], [sflag:$0x4] =	stream.indirect.gather [hbm4b:s3+s23], $0x80, s31, s23, $0xb8;
	[tilespmem:$0x1A880] =	vst v63  }
0x76: {  	_ =	swait.ge [sflag:s8], $0x2800  }
0x77: {  	[sflag:s8] =	ssyncset.done $0x0  }
0x78: {  	[sflag:s8] =	ssyncadd.s32 $0xFFFFD800  }
0x79: {  	_ =	swait.ge [sflag:s21], $0x2800  }
0x7a: {  	[sflag:s21] =	ssyncset.done $0x0  }
0x7b: {  	[sflag:s21] =	ssyncadd.s32 $0xFFFFD800  }
0x7c: {  	_ =	swait.ge [sflag:s1], $0x2800  }
.Ltmp6:
0x7d: {  	[sflag:s1] =	ssyncset.done $0x0;
	(pc) =	sbr.rel .LBB2_6-.Ltmp6, $4  }
0x7e: {  	[sflag:s1] =	ssyncadd.s32 $0xFFFFD800  }
0x7f: {  	_ =	swait.ge [sflag:s10], $0x2800  }
0x80: {  	[sflag:s10] =	ssyncset.done $0x0  }
0x81: {  	[sflag:s10] =	ssyncadd.s32 $0xFFFFD800  }
.LBB2_8:
0x82: {  	_ =	sfence.sel $0x180000  }
0x83: {  	[bflag:$0x0] =	sbarrier.arrive $0xFFFF  }
0x84: {  	_ =	strace $0x90000047  }
0x85: {  	s0 =	stileid.u32;
	[bflag:$0x2] =	sbarrier.arrive $0xFFFF  }
0x86: {  	p0 =	sne.s32 s0, $0x0;
	s0 =	rddreg [dreg:$0x1]  }
0x87: {  	s0 =	sadd.s32 @!p0 $0x100000, s0  }
0x88: {  	[sflag:s0] =	ssyncadd.tile.s32 @!p0 $0x1;
	_ =	shalt  }
.Lfunc_end2:
_tile_overlayer_lowered:
.L_overlay_start_2:
0x89: {  	(tag) =	ssettag $0x2  }
0x8a: {  	s0 =	rddreg [dreg:$0x0];
	s2 =	stileid.u32  }
0x8b: {  	s1 =	rddreg [dreg:$0x1];
	p0 =	sne.s32 s2, $0x0  }
0x8c: {  	s3 =	rddreg [dreg:$0x2];
	[bflag:$0x3] =	sbarrier.arrive $0xFFFF;
	s2 =	simm.s32 @!p0 $0x1C05  }
0x8d: {  	[timem:s3], [sflag:s2] =	dma.local @!p0 [hbm:s0], s1  }
0x8e: {  	s0 =	simm.s32 @!p0 $0x5  }
0x8f: {  	_ =	swait.ge @!p0 [sflag:s0], s1  }
0x90: {  	s1 =	ssub.s32 @!p0 $0x0, s1;
	[sflag:s0] =	ssyncset.done @!p0 $0x0  }
0x91: {  	[sflag:s0] =	ssyncadd.s32 @!p0 s1  }
0x92: {  	[bflag:$0x3] =	sbarrier.arrive $0xFFFF  }
0x93: {  	_ =	shalt  }

</sc_bundles>
